<compile_context>
chip_gen: v7x
topology: tpu7x:2x2x1
jax: 0.10.2.dev20260603
libtpu: 0.0.44.dev20260713+nightly
codegen_flags: <defaults>
</compile_context>

<pallas_src>
import functools

import jax
import jax.numpy as jnp
from jax.experimental import pallas as pl
from jax.experimental.pallas import tpu as pltpu

_BF = jnp.bfloat16
_F32 = jnp.float32


def _trunc16(a):
    ai = jax.lax.bitcast_convert_type(a, jnp.int32)
    return jax.lax.bitcast_convert_type(ai & jnp.int32(-65536), _F32)


def _split3(a):
    af = _trunc16(a)
    r1 = a - af
    bf = _trunc16(r1)
    r2 = r1 - bf
    return af.astype(_BF), bf.astype(_BF), r2.astype(_BF)


def _dot(a, b):
    return jax.lax.dot_general(a, b, (((1,), (0,)), ((), ())),
                               preferred_element_type=_F32)


def _bdot(a, b_ref):
    return _dot(a.astype(_BF), b_ref[...])


def _body(x_ref, w1_ref, w2_ref, e2_ref, e2ta_ref, e2tb_ref, e2tc_ref,
          w3_ref, w4_ref,
          b1_ref, b2_ref, b3_ref, b4_ref, e2c_ref,
          recon_ref, ze_ref, embout_ref, *, K, P, F):
    h1 = jnp.maximum(_bdot(x_ref[...], w1_ref) + b1_ref[...], 0.0)
    ze = _bdot(h1, w2_ref) + b2_ref[...]
    ze_ref[...] = ze

    scores = e2c_ref[...] - 2.0 * _bdot(ze, e2_ref)

    iota = jax.lax.broadcasted_iota(jnp.int32, (scores.shape[0], K), 1)
    ohs = []
    for p in range(P):
        s = scores[:, p * K:(p + 1) * K]
        m = jnp.min(s, axis=1, keepdims=True)
        cand = jnp.where(s == m, iota, K)
        kmin = jnp.min(cand, axis=1, keepdims=True)
        ohs.append((iota == kmin).astype(_BF))
    oh = jnp.concatenate(ohs, axis=1)
    zq = ((_dot(oh, e2ta_ref[...]) + _dot(oh, e2tb_ref[...]))
          + _dot(oh, e2tc_ref[...]))
    embout_ref[...] = zq

    h3 = jnp.maximum(_bdot(zq, w3_ref) + b3_ref[...], 0.0)
    recon_ref[...] = jax.nn.sigmoid(_bdot(h3, w4_ref) + b4_ref[...])


def kernel(x, W1, b1, W2, b2, W3, b3, W4, b4, emb_weight):
    B, L = x.shape
    D, K = emb_weight.shape
    H = W2.shape[0]
    P = H // D
    F1 = W1.shape[0]
    F = 512
    BB = 256

    def padto(a, rows, cols):
        return jnp.pad(a, ((0, rows - a.shape[0]), (0, cols - a.shape[1])))

    W1b = padto(W1.T, L, F).astype(_BF)
    W2b = padto(W2.T, F, H).astype(_BF)
    W3b = padto(W3.T, H, F).astype(_BF)
    W4b = padto(W4.T, F, L).astype(_BF)

    eye = jnp.eye(P, dtype=_F32)
    E2 = (emb_weight[:, None, None, :] * eye[None, :, :, None]
          ).reshape(D * P, P * K)
    E2T = (eye[:, None, None, :] * emb_weight.T[None, :, :, None]
           ).reshape(P * K, D * P)
    E2b = E2.astype(_BF)
    E2Ta, E2Tb, E2Tc = _split3(E2T)
    e2c = jnp.sum(emb_weight * emb_weight, axis=0)
    e2c = jnp.tile(e2c, P)

    b1r = jnp.pad(b1, (0, F - F1)).reshape(1, F)
    b2r = b2.reshape(1, H)
    b3r = jnp.pad(b3, (0, F - F1)).reshape(1, F)
    b4r = b4.reshape(1, L)
    e2cr = e2c.reshape(1, P * K)

    grid = (B // BB,)
    full = lambda shape: pl.BlockSpec(shape, lambda i: (0, 0))
    row = lambda shape: pl.BlockSpec(shape, lambda i: (i, 0))

    recon, ze, embout = pl.pallas_call(
        functools.partial(_body, K=K, P=P, F=F),
        grid=grid,
        in_specs=[
            row((BB, L)),
            full((L, F)),
            full((F, H)),
            full((H, P * K)),
            full((P * K, H)), full((P * K, H)), full((P * K, H)),
            full((H, F)), full((F, L)),
            full((1, F)), full((1, H)), full((1, F)), full((1, L)),
            full((1, P * K)),
        ],
        out_specs=(row((BB, L)), row((BB, H)), row((BB, H))),
        out_shape=(
            jax.ShapeDtypeStruct((B, L), x.dtype),
            jax.ShapeDtypeStruct((B, H), x.dtype),
            jax.ShapeDtypeStruct((B, H), x.dtype),
        ),
        compiler_params=pltpu.CompilerParams(
            dimension_semantics=("arbitrary",)),
    )(x, W1b, W2b, E2b, E2Ta, E2Tb, E2Tc, W3b, W4b,
      b1r, b2r, b3r, b4r, e2cr)

    return recon, ze.reshape(B, D, P), embout

# --- scband reference (transcript-rebuilt; emitter-appended) ---
"""Pipeline reference for scband-vq-vae-57475252355204 (READ-ONLY COPY).

The authoritative reference and input builder live on the scoring server;
editing this copy changes nothing except your own understanding.
"""

import jax, jax.numpy as jnp
import numpy as np

B = 16384
LENGTH = 3072
HIDDEN = 512
K = 256          # number of codebook entries (== emb_size in this model)
EMB = 256        # code dim
P = HIDDEN // EMB  # positions per sample = 2


def _linear_params(kw, kb, fan_in, fan_out):
    bound = 1.0 / np.sqrt(fan_in)
    W = jax.random.uniform(kw, (fan_out, fan_in), minval=-bound, maxval=bound, dtype=jnp.float32)
    b = jax.random.uniform(kb, (fan_out,), minval=-bound, maxval=bound, dtype=jnp.float32)
    return W, b


def setup_inputs(seed: int = 0) -> dict:
    key = jax.random.key(seed)
    ks = jax.random.split(key, 10)
    x = jax.random.uniform(ks[0], (B, LENGTH), dtype=jnp.float32)
    W1, b1 = _linear_params(ks[1], ks[2], LENGTH, 400)
    W2, b2 = _linear_params(ks[3], ks[4], 400, HIDDEN)
    W3, b3 = _linear_params(ks[5], ks[6], HIDDEN, 400)
    W4, b4 = _linear_params(ks[7], ks[8], 400, LENGTH)
    # NearestEmbed weight: torch.rand(embeddings_dim, num_embeddings)
    emb_weight = jax.random.uniform(ks[9], (EMB, K), dtype=jnp.float32)
    return {"x": x, "W1": W1, "b1": b1, "W2": W2, "b2": b2, "W3": W3, "b3": b3,
            "W4": W4, "b4": b4, "emb_weight": emb_weight}


def _nearest_embed(x, emb):
    # x: (B, D, P), emb: (D, K). Quantize each (D,) vector at every position to nearest code.
    x2 = jnp.sum(x * x, axis=1)                      # (B, P)
    e2 = jnp.sum(emb * emb, axis=0)                  # (K,)
    cross = jnp.einsum('bdp,dk->bpk', x, emb)        # (B, P, K)
    dist2 = x2[:, :, None] - 2.0 * cross + e2[None, None, :]
    idx = jnp.argmin(dist2, axis=-1)                 # (B, P)
    quant = jnp.take(emb, idx, axis=1)               # (D, B, P)
    quant = jnp.transpose(quant, (1, 0, 2))          # (B, D, P)
    return quant, idx


def reference(x, W1, b1, W2, b2, W3, b3, W4, b4, emb_weight):
    x = x.reshape(-1, LENGTH)
    h1 = jax.nn.relu(x @ W1.T + b1)
    z_e = (h1 @ W2.T + b2).reshape(-1, EMB, P)
    # z_q, _ = self.emb(z_e, weight_sg=True)
    z_q, _ = _nearest_embed(z_e, jax.lax.stop_gradient(emb_weight))
    z_q = z_q.reshape(-1, HIDDEN)
    # emb, _ = self.emb(z_e.detach())
    emb_out, _ = _nearest_embed(jax.lax.stop_gradient(z_e), emb_weight)
    emb_out = emb_out.reshape(-1, HIDDEN)
    h3 = jax.nn.relu(z_q @ W3.T + b3)
    recon = jax.nn.sigmoid(h3 @ W4.T + b4)
    return recon, z_e, emb_out

if __name__ == "__main__":
    import jax
    _d = setup_inputs()
    print(jax.jit(kernel)(*tuple(_d.values())))

</pallas_src>

<mosaic_0001>
module attributes {stable_mosaic.version = 14 : i64} {
  func.func @_body(%arg0: i32, %arg1: memref<256x3072xf32, #tpu.memory_space<vmem>>, %arg2: memref<3072x512xbf16, #tpu.memory_space<vmem>>, %arg3: memref<512x512xbf16, #tpu.memory_space<vmem>>, %arg4: memref<512x512xbf16, #tpu.memory_space<vmem>>, %arg5: memref<512x512xbf16, #tpu.memory_space<vmem>>, %arg6: memref<512x512xbf16, #tpu.memory_space<vmem>>, %arg7: memref<512x512xbf16, #tpu.memory_space<vmem>>, %arg8: memref<512x512xbf16, #tpu.memory_space<vmem>>, %arg9: memref<512x3072xbf16, #tpu.memory_space<vmem>>, %arg10: memref<1x512xf32, #tpu.memory_space<vmem>>, %arg11: memref<1x512xf32, #tpu.memory_space<vmem>>, %arg12: memref<1x512xf32, #tpu.memory_space<vmem>>, %arg13: memref<1x3072xf32, #tpu.memory_space<vmem>>, %arg14: memref<1x512xf32, #tpu.memory_space<vmem>>, %arg15: memref<256x3072xf32, #tpu.memory_space<vmem>>, %arg16: memref<256x512xf32, #tpu.memory_space<vmem>>, %arg17: memref<256x512xf32, #tpu.memory_space<vmem>>) attributes {dimension_semantics = [#tpu.dimension_semantics<arbitrary>], iteration_bounds = array<i64: 64>, scalar_prefetch = 0 : i64, scratch_operands = 0 : i64, tpu.core_type = #tpu.core_type<tc>, window_params = [{transform_indices = @transform_0, window_bounds = array<i64: 256, 3072>}, {pipeline_mode = #tpu.pipeline_mode<synchronous>, transform_indices = @transform_1, window_bounds = array<i64: 3072, 512>}, {pipeline_mode = #tpu.pipeline_mode<synchronous>, transform_indices = @transform_2, window_bounds = array<i64: 512, 512>}, {pipeline_mode = #tpu.pipeline_mode<synchronous>, transform_indices = @transform_3, window_bounds = array<i64: 512, 512>}, {pipeline_mode = #tpu.pipeline_mode<synchronous>, transform_indices = @transform_4, window_bounds = array<i64: 512, 512>}, {pipeline_mode = #tpu.pipeline_mode<synchronous>, transform_indices = @transform_5, window_bounds = array<i64: 512, 512>}, {pipeline_mode = #tpu.pipeline_mode<synchronous>, transform_indices = @transform_6, window_bounds = array<i64: 512, 512>}, {pipeline_mode = #tpu.pipeline_mode<synchronous>, transform_indices = @transform_7, window_bounds = array<i64: 512, 512>}, {pipeline_mode = #tpu.pipeline_mode<synchronous>, transform_indices = @transform_8, window_bounds = array<i64: 512, 3072>}, {pipeline_mode = #tpu.pipeline_mode<synchronous>, transform_indices = @transform_9, window_bounds = array<i64: 1, 512>}, {pipeline_mode = #tpu.pipeline_mode<synchronous>, transform_indices = @transform_10, window_bounds = array<i64: 1, 512>}, {pipeline_mode = #tpu.pipeline_mode<synchronous>, transform_indices = @transform_11, window_bounds = array<i64: 1, 512>}, {pipeline_mode = #tpu.pipeline_mode<synchronous>, transform_indices = @transform_12, window_bounds = array<i64: 1, 3072>}, {pipeline_mode = #tpu.pipeline_mode<synchronous>, transform_indices = @transform_13, window_bounds = array<i64: 1, 512>}, {transform_indices = @transform_14, window_bounds = array<i64: 256, 3072>}, {transform_indices = @transform_15, window_bounds = array<i64: 256, 512>}, {transform_indices = @transform_16, window_bounds = array<i64: 256, 512>}]} {
    %get3A = arith.constant 0 : index
    %get3A_0 = arith.constant 0 : index
    %get3A_1 = vector.load %arg1[%get3A, %get3A_0] : memref<256x3072xf32, #tpu.memory_space<vmem>>, vector<256x3072xf32>
    %convert_element_type3A = arith.truncf %get3A_1 : vector<256x3072xf32> to vector<256x3072xbf16>
    %get3A_2 = arith.constant 0 : index
    %get3A_3 = arith.constant 0 : index
    %get3A_4 = vector.load %arg2[%get3A_2, %get3A_3] : memref<3072x512xbf16, #tpu.memory_space<vmem>>, vector<3072x512xbf16>
    %dot_general3A = arith.constant dense<0.000000e+00> : vector<256x512xf32>
    %dot_general3A_5 = tpu.matmul %convert_element_type3A, %get3A_4, %dot_general3A {dimension_numbers = #tpu.dot_dimension_numbers<[1], [0], [0], [1], [0, 0, 1, 1], [], []>, transpose_lhs_hint = false} : vector<256x3072xbf16>, vector<3072x512xbf16>, vector<256x512xf32> -> vector<256x512xf32>
    %get3A_6 = arith.constant 0 : index
    %get3A_7 = arith.constant 0 : index
    %get3A_8 = vector.load %arg10[%get3A_6, %get3A_7] : memref<1x512xf32, #tpu.memory_space<vmem>>, vector<1x512xf32>
    %add3A = vector.broadcast %get3A_8 : vector<1x512xf32> to vector<256x512xf32>
    %add3A_9 = arith.addf %dot_general3A_5, %add3A : vector<256x512xf32>
    %max3A = arith.constant 0.000000e+00 : f32
    %max3A_10 = vector.broadcast %max3A : f32 to vector<256x512xf32>
    %max3A_11 = arith.maximumf %add3A_9, %max3A_10 : vector<256x512xf32>
    %convert_element_type3A_12 = arith.truncf %max3A_11 : vector<256x512xf32> to vector<256x512xbf16>
    %get3A_13 = arith.constant 0 : index
    %get3A_14 = arith.constant 0 : index
    %get3A_15 = vector.load %arg3[%get3A_13, %get3A_14] : memref<512x512xbf16, #tpu.memory_space<vmem>>, vector<512x512xbf16>
    %dot_general3A_16 = arith.constant dense<0.000000e+00> : vector<256x512xf32>
    %dot_general3A_17 = tpu.matmul %convert_element_type3A_12, %get3A_15, %dot_general3A_16 {dimension_numbers = #tpu.dot_dimension_numbers<[1], [0], [0], [1], [0, 0, 1, 1], [], []>, transpose_lhs_hint = false} : vector<256x512xbf16>, vector<512x512xbf16>, vector<256x512xf32> -> vector<256x512xf32>
    %get3A_18 = arith.constant 0 : index
    %get3A_19 = arith.constant 0 : index
    %get3A_20 = vector.load %arg11[%get3A_18, %get3A_19] : memref<1x512xf32, #tpu.memory_space<vmem>>, vector<1x512xf32>
    %add3A_21 = vector.broadcast %get3A_20 : vector<1x512xf32> to vector<256x512xf32>
    %add3A_22 = arith.addf %dot_general3A_17, %add3A_21 : vector<256x512xf32>
    %swap3A = arith.constant 0 : index
    %swap3A_23 = arith.constant 0 : index
    %swap3A_24 = vector.load %arg16[%swap3A, %swap3A_23] : memref<256x512xf32, #tpu.memory_space<vmem>>, vector<256x512xf32>
    tpu.vector_store %arg16[%swap3A, %swap3A_23], %add3A_22 {strides = array<i32>} : memref<256x512xf32, #tpu.memory_space<vmem>>, vector<256x512xf32>,
    %get3A_25 = arith.constant 0 : index
    %get3A_26 = arith.constant 0 : index
    %get3A_27 = vector.load %arg14[%get3A_25, %get3A_26] : memref<1x512xf32, #tpu.memory_space<vmem>>, vector<1x512xf32>
    %convert_element_type3A_28 = arith.truncf %add3A_22 : vector<256x512xf32> to vector<256x512xbf16>
    %get3A_29 = arith.constant 0 : index
    %get3A_30 = arith.constant 0 : index
    %get3A_31 = vector.load %arg4[%get3A_29, %get3A_30] : memref<512x512xbf16, #tpu.memory_space<vmem>>, vector<512x512xbf16>
    %dot_general3A_32 = arith.constant dense<0.000000e+00> : vector<256x512xf32>
    %dot_general3A_33 = tpu.matmul %convert_element_type3A_28, %get3A_31, %dot_general3A_32 {dimension_numbers = #tpu.dot_dimension_numbers<[1], [0], [0], [1], [0, 0, 1, 1], [], []>, transpose_lhs_hint = false} : vector<256x512xbf16>, vector<512x512xbf16>, vector<256x512xf32> -> vector<256x512xf32>
    %mul3A = arith.constant 2.000000e+00 : f32
    %mul3A_34 = vector.broadcast %mul3A : f32 to vector<256x512xf32>
    %mul3A_35 = arith.mulf %mul3A_34, %dot_general3A_33 : vector<256x512xf32>
    %sub3A = vector.broadcast %get3A_27 : vector<1x512xf32> to vector<256x512xf32>
    %sub3A_36 = arith.subf %sub3A, %mul3A_35 : vector<256x512xf32>
    %iota3A = tpu.iota {dimensions = array<i32: 1>} : vector<256x256xi32>
    %slice3A = vector.extract_strided_slice %sub3A_36 {offsets = [0, 0], sizes = [256, 256], strides = [1, 1]} : vector<256x512xf32> to vector<256x256xf32>
    %reduce_min3A = arith.constant dense<0x7F800000> : vector<256xf32>
    %reduce_min3A_37 = vector.multi_reduction <minimumf>, %slice3A, %reduce_min3A [1] : vector<256x256xf32> to vector<256xf32>
    %broadcast_in_dim3A = vector.shape_cast %reduce_min3A_37 : vector<256xf32> to vector<256x1xf32>
    %eq3A = vector.broadcast %broadcast_in_dim3A : vector<256x1xf32> to vector<256x256xf32>
    %eq3A_38 = arith.cmpf oeq, %slice3A, %eq3A : vector<256x256xf32>
    %jit3A = arith.constant 256 : i32
    %broadcast_in_dim3A_39 = vector.broadcast %jit3A : i32 to vector<256x256xi32>
    %select_n3A = arith.select %eq3A_38, %iota3A, %broadcast_in_dim3A_39 : vector<256x256xi1>, vector<256x256xi32>
    %reduce_min3A_40 = arith.constant dense<2147483647> : vector<256xi32>
    %reduce_min3A_41 = vector.multi_reduction <minsi>, %select_n3A, %reduce_min3A_40 [1] : vector<256x256xi32> to vector<256xi32>
    %broadcast_in_dim3A_42 = vector.shape_cast %reduce_min3A_41 : vector<256xi32> to vector<256x1xi32>
    %eq3A_43 = vector.broadcast %broadcast_in_dim3A_42 : vector<256x1xi32> to vector<256x256xi32>
    %eq3A_44 = arith.cmpi eq, %iota3A, %eq3A_43 : vector<256x256xi32>
    %convert_element_type3A_45 = arith.extui %eq3A_44 : vector<256x256xi1> to vector<256x256xi32>
    %convert_element_type3A_46 = arith.sitofp %convert_element_type3A_45 : vector<256x256xi32> to vector<256x256xf32>
    %convert_element_type3A_47 = arith.truncf %convert_element_type3A_46 : vector<256x256xf32> to vector<256x256xbf16>
    %slice3A_48 = vector.extract_strided_slice %sub3A_36 {offsets = [0, 256], sizes = [256, 256], strides = [1, 1]} : vector<256x512xf32> to vector<256x256xf32>
    %reduce_min3A_49 = arith.constant dense<0x7F800000> : vector<256xf32>
    %reduce_min3A_50 = vector.multi_reduction <minimumf>, %slice3A_48, %reduce_min3A_49 [1] : vector<256x256xf32> to vector<256xf32>
    %broadcast_in_dim3A_51 = vector.shape_cast %reduce_min3A_50 : vector<256xf32> to vector<256x1xf32>
    %eq3A_52 = vector.broadcast %broadcast_in_dim3A_51 : vector<256x1xf32> to vector<256x256xf32>
    %eq3A_53 = arith.cmpf oeq, %slice3A_48, %eq3A_52 : vector<256x256xf32>
    %jit3A_54 = arith.constant 256 : i32
    %broadcast_in_dim3A_55 = vector.broadcast %jit3A_54 : i32 to vector<256x256xi32>
    %select_n3A_56 = arith.select %eq3A_53, %iota3A, %broadcast_in_dim3A_55 : vector<256x256xi1>, vector<256x256xi32>
    %reduce_min3A_57 = arith.constant dense<2147483647> : vector<256xi32>
    %reduce_min3A_58 = vector.multi_reduction <minsi>, %select_n3A_56, %reduce_min3A_57 [1] : vector<256x256xi32> to vector<256xi32>
    %broadcast_in_dim3A_59 = vector.shape_cast %reduce_min3A_58 : vector<256xi32> to vector<256x1xi32>
    %eq3A_60 = vector.broadcast %broadcast_in_dim3A_59 : vector<256x1xi32> to vector<256x256xi32>
    %eq3A_61 = arith.cmpi eq, %iota3A, %eq3A_60 : vector<256x256xi32>
    %convert_element_type3A_62 = arith.extui %eq3A_61 : vector<256x256xi1> to vector<256x256xi32>
    %convert_element_type3A_63 = arith.sitofp %convert_element_type3A_62 : vector<256x256xi32> to vector<256x256xf32>
    %convert_element_type3A_64 = arith.truncf %convert_element_type3A_63 : vector<256x256xf32> to vector<256x256xbf16>
    %concatenate3A = tpu.concatenate %convert_element_type3A_47, %convert_element_type3A_64 in 1 : vector<256x256xbf16>, vector<256x256xbf16> -> vector<256x512xbf16>
    %get3A_65 = arith.constant 0 : index
    %get3A_66 = arith.constant 0 : index
    %get3A_67 = vector.load %arg5[%get3A_65, %get3A_66] : memref<512x512xbf16, #tpu.memory_space<vmem>>, vector<512x512xbf16>
    %dot_general3A_68 = arith.constant dense<0.000000e+00> : vector<256x512xf32>
    %dot_general3A_69 = tpu.matmul %concatenate3A, %get3A_67, %dot_general3A_68 {dimension_numbers = #tpu.dot_dimension_numbers<[1], [0], [0], [1], [0, 0, 1, 1], [], []>, transpose_lhs_hint = false} : vector<256x512xbf16>, vector<512x512xbf16>, vector<256x512xf32> -> vector<256x512xf32>
    %get3A_70 = arith.constant 0 : index
    %get3A_71 = arith.constant 0 : index
    %get3A_72 = vector.load %arg6[%get3A_70, %get3A_71] : memref<512x512xbf16, #tpu.memory_space<vmem>>, vector<512x512xbf16>
    %dot_general3A_73 = arith.constant dense<0.000000e+00> : vector<256x512xf32>
    %dot_general3A_74 = tpu.matmul %concatenate3A, %get3A_72, %dot_general3A_73 {dimension_numbers = #tpu.dot_dimension_numbers<[1], [0], [0], [1], [0, 0, 1, 1], [], []>, transpose_lhs_hint = false} : vector<256x512xbf16>, vector<512x512xbf16>, vector<256x512xf32> -> vector<256x512xf32>
    %add3A_75 = arith.addf %dot_general3A_69, %dot_general3A_74 : vector<256x512xf32>
    %get3A_76 = arith.constant 0 : index
    %get3A_77 = arith.constant 0 : index
    %get3A_78 = vector.load %arg7[%get3A_76, %get3A_77] : memref<512x512xbf16, #tpu.memory_space<vmem>>, vector<512x512xbf16>
    %dot_general3A_79 = arith.constant dense<0.000000e+00> : vector<256x512xf32>
    %dot_general3A_80 = tpu.matmul %concatenate3A, %get3A_78, %dot_general3A_79 {dimension_numbers = #tpu.dot_dimension_numbers<[1], [0], [0], [1], [0, 0, 1, 1], [], []>, transpose_lhs_hint = false} : vector<256x512xbf16>, vector<512x512xbf16>, vector<256x512xf32> -> vector<256x512xf32>
    %add3A_81 = arith.addf %add3A_75, %dot_general3A_80 : vector<256x512xf32>
    %swap3A_82 = arith.constant 0 : index
    %swap3A_83 = arith.constant 0 : index
    %swap3A_84 = vector.load %arg17[%swap3A_82, %swap3A_83] : memref<256x512xf32, #tpu.memory_space<vmem>>, vector<256x512xf32>
    tpu.vector_store %arg17[%swap3A_82, %swap3A_83], %add3A_81 {strides = array<i32>} : memref<256x512xf32, #tpu.memory_space<vmem>>, vector<256x512xf32>,
    %convert_element_type3A_85 = arith.truncf %add3A_81 : vector<256x512xf32> to vector<256x512xbf16>
    %get3A_86 = arith.constant 0 : index
    %get3A_87 = arith.constant 0 : index
    %get3A_88 = vector.load %arg8[%get3A_86, %get3A_87] : memref<512x512xbf16, #tpu.memory_space<vmem>>, vector<512x512xbf16>
    %dot_general3A_89 = arith.constant dense<0.000000e+00> : vector<256x512xf32>
    %dot_general3A_90 = tpu.matmul %convert_element_type3A_85, %get3A_88, %dot_general3A_89 {dimension_numbers = #tpu.dot_dimension_numbers<[1], [0], [0], [1], [0, 0, 1, 1], [], []>, transpose_lhs_hint = false} : vector<256x512xbf16>, vector<512x512xbf16>, vector<256x512xf32> -> vector<256x512xf32>
    %get3A_91 = arith.constant 0 : index
    %get3A_92 = arith.constant 0 : index
    %get3A_93 = vector.load %arg12[%get3A_91, %get3A_92] : memref<1x512xf32, #tpu.memory_space<vmem>>, vector<1x512xf32>
    %add3A_94 = vector.broadcast %get3A_93 : vector<1x512xf32> to vector<256x512xf32>
    %add3A_95 = arith.addf %dot_general3A_90, %add3A_94 : vector<256x512xf32>
    %max3A_96 = arith.constant 0.000000e+00 : f32
    %max3A_97 = vector.broadcast %max3A_96 : f32 to vector<256x512xf32>
    %max3A_98 = arith.maximumf %add3A_95, %max3A_97 : vector<256x512xf32>
    %convert_element_type3A_99 = arith.truncf %max3A_98 : vector<256x512xf32> to vector<256x512xbf16>
    %get3A_100 = arith.constant 0 : index
    %get3A_101 = arith.constant 0 : index
    %get3A_102 = vector.load %arg9[%get3A_100, %get3A_101] : memref<512x3072xbf16, #tpu.memory_space<vmem>>, vector<512x3072xbf16>
    %dot_general3A_103 = arith.constant dense<0.000000e+00> : vector<256x3072xf32>
    %dot_general3A_104 = tpu.matmul %convert_element_type3A_99, %get3A_102, %dot_general3A_103 {dimension_numbers = #tpu.dot_dimension_numbers<[1], [0], [0], [1], [0, 0, 1, 1], [], []>, transpose_lhs_hint = false} : vector<256x512xbf16>, vector<512x3072xbf16>, vector<256x3072xf32> -> vector<256x3072xf32>
    %get3A_105 = arith.constant 0 : index
    %get3A_106 = arith.constant 0 : index
    %get3A_107 = vector.load %arg13[%get3A_105, %get3A_106] : memref<1x3072xf32, #tpu.memory_space<vmem>>, vector<1x3072xf32>
    %add3A_108 = vector.broadcast %get3A_107 : vector<1x3072xf32> to vector<256x3072xf32>
    %add3A_109 = arith.addf %dot_general3A_104, %add3A_108 : vector<256x3072xf32>
    %logistic3A = arith.negf %add3A_109 : vector<256x3072xf32>
    %logistic3A_110 = math.exp %logistic3A : vector<256x3072xf32>
    %logistic3A_111 = arith.constant 1.000000e+00 : f32
    %logistic3A_112 = vector.broadcast %logistic3A_111 : f32 to vector<256x3072xf32>
    %logistic3A_113 = arith.addf %logistic3A_112, %logistic3A_110 : vector<256x3072xf32>
    %logistic3A_114 = arith.divf %logistic3A_112, %logistic3A_113 : vector<256x3072xf32>
    %swap3A_115 = arith.constant 0 : index
    %swap3A_116 = arith.constant 0 : index
    %swap3A_117 = vector.load %arg15[%swap3A_115, %swap3A_116] : memref<256x3072xf32, #tpu.memory_space<vmem>>, vector<256x3072xf32>
    tpu.vector_store %arg15[%swap3A_115, %swap3A_116], %logistic3A_114 {strides = array<i32>} : memref<256x3072xf32, #tpu.memory_space<vmem>>, vector<256x3072xf32>,
    return
  }
  func.func @transform_0(%arg0: i32) -> (i32, i32) {
    %c0_i32 = arith.constant 0 : i32
    %c0_i32_0 = arith.constant 0 : i32
    return %arg0, %c0_i32 : i32, i32
  }
  func.func @transform_1(%arg0: i32) -> (i32, i32) {
    %c0_i32 = arith.constant 0 : i32
    %c0_i32_0 = arith.constant 0 : i32
    %c0_i32_1 = arith.constant 0 : i32
    return %c0_i32, %c0_i32_0 : i32, i32
  }
  func.func @transform_2(%arg0: i32) -> (i32, i32) {
    %c0_i32 = arith.constant 0 : i32
    %c0_i32_0 = arith.constant 0 : i32
    %c0_i32_1 = arith.constant 0 : i32
    return %c0_i32, %c0_i32_0 : i32, i32
  }
  func.func @transform_3(%arg0: i32) -> (i32, i32) {
    %c0_i32 = arith.constant 0 : i32
    %c0_i32_0 = arith.constant 0 : i32
    %c0_i32_1 = arith.constant 0 : i32
    return %c0_i32, %c0_i32_0 : i32, i32
  }
  func.func @transform_4(%arg0: i32) -> (i32, i32) {
    %c0_i32 = arith.constant 0 : i32
    %c0_i32_0 = arith.constant 0 : i32
    %c0_i32_1 = arith.constant 0 : i32
    return %c0_i32, %c0_i32_0 : i32, i32
  }
  func.func @transform_5(%arg0: i32) -> (i32, i32) {
    %c0_i32 = arith.constant 0 : i32
    %c0_i32_0 = arith.constant 0 : i32
    %c0_i32_1 = arith.constant 0 : i32
    return %c0_i32, %c0_i32_0 : i32, i32
  }
  func.func @transform_6(%arg0: i32) -> (i32, i32) {
    %c0_i32 = arith.constant 0 : i32
    %c0_i32_0 = arith.constant 0 : i32
    %c0_i32_1 = arith.constant 0 : i32
    return %c0_i32, %c0_i32_0 : i32, i32
  }
  func.func @transform_7(%arg0: i32) -> (i32, i32) {
    %c0_i32 = arith.constant 0 : i32
    %c0_i32_0 = arith.constant 0 : i32
    %c0_i32_1 = arith.constant 0 : i32
    return %c0_i32, %c0_i32_0 : i32, i32
  }
  func.func @transform_8(%arg0: i32) -> (i32, i32) {
    %c0_i32 = arith.constant 0 : i32
    %c0_i32_0 = arith.constant 0 : i32
    %c0_i32_1 = arith.constant 0 : i32
    return %c0_i32, %c0_i32_0 : i32, i32
  }
  func.func @transform_9(%arg0: i32) -> (i32, i32) {
    %c0_i32 = arith.constant 0 : i32
    %c0_i32_0 = arith.constant 0 : i32
    %c0_i32_1 = arith.constant 0 : i32
    return %c0_i32, %c0_i32_0 : i32, i32
  }
  func.func @transform_10(%arg0: i32) -> (i32, i32) {
    %c0_i32 = arith.constant 0 : i32
    %c0_i32_0 = arith.constant 0 : i32
    %c0_i32_1 = arith.constant 0 : i32
    return %c0_i32, %c0_i32_0 : i32, i32
  }
  func.func @transform_11(%arg0: i32) -> (i32, i32) {
    %c0_i32 = arith.constant 0 : i32
    %c0_i32_0 = arith.constant 0 : i32
    %c0_i32_1 = arith.constant 0 : i32
    return %c0_i32, %c0_i32_0 : i32, i32
  }
  func.func @transform_12(%arg0: i32) -> (i32, i32) {
    %c0_i32 = arith.constant 0 : i32
    %c0_i32_0 = arith.constant 0 : i32
    %c0_i32_1 = arith.constant 0 : i32
    return %c0_i32, %c0_i32_0 : i32, i32
  }
  func.func @transform_13(%arg0: i32) -> (i32, i32) {
    %c0_i32 = arith.constant 0 : i32
    %c0_i32_0 = arith.constant 0 : i32
    %c0_i32_1 = arith.constant 0 : i32
    return %c0_i32, %c0_i32_0 : i32, i32
  }
  func.func @transform_14(%arg0: i32) -> (i32, i32) {
    %c0_i32 = arith.constant 0 : i32
    %c0_i32_0 = arith.constant 0 : i32
    return %arg0, %c0_i32 : i32, i32
  }
  func.func @transform_15(%arg0: i32) -> (i32, i32) {
    %c0_i32 = arith.constant 0 : i32
    %c0_i32_0 = arith.constant 0 : i32
    return %arg0, %c0_i32 : i32, i32
  }
  func.func @transform_16(%arg0: i32) -> (i32, i32) {
    %c0_i32 = arith.constant 0 : i32
    %c0_i32_0 = arith.constant 0 : i32
    return %arg0, %c0_i32 : i32, i32
  }
}

</mosaic_0001>

<sc_bundles>
// kernel: sparse-core-data-format-call.cloned.1.call-start
scs
called_computation_lowered:
.L_overlay_start_0:
0x0: {  	s2 =	sld [smem:$0x3FD9]  }
0x1: {  	s3 =	sld [smem:$0x3FFE];
	_ =	sdelay $0x1  }
0x2: {  	s1 =	srdreg.scid  }
0x3: {  	s0 =	sand.u32 $0x1, s1  }
0x4: {  	s15 =	sshll.u32 s0, $0xA;
	s2 =	sadd.s32 s3, s2  }
0x5: {  	s2 =	sadd.s32 s2, s15  }
0x6: {  	[smem:$0x3FBE] =	sst s2  }
0x7: {  	_ = 	snop  }
0x8: {  	s2 =	sld [smem:$0x3FD0];
	_ =	sdelay $0x2  }
0x9: {  	s16 =	simm.s32 $0xA;
	s4 =	simm.s32 $0x10  }
0xa: {  	[smem:s4], [sflag:s16] =	dma.local [hbm:s2], $0x1  }
0xb: {  	_ =	swait.eq [sflag:s16], $0x1  }
0xc: {  	[sflag:s16] =	ssyncset.done $0x0  }
0xd: {  	[sflag:s16] =	ssyncadd.s32 $0xFFFFFFFF  }
0xe: {  	s17 =	sld [smem:$0x11];
	(tm) =	ssettm $0x1  }
0xf: {  	s18 =	sld [smem:$0x3FFB];
	_ =	sdelay $0x3  }
0x10: {  	_ =	strace s18  }
0x11: {  	s3 =	sld [smem:$0x3FFC];
	_ =	sdelay $0x3  }
0x12: {  	_ =	strace s3  }
0x13: {  	s3 =	sld [smem:$0x3FFD];
	_ =	sdelay $0x3  }
0x14: {  	_ =	strace s3  }
0x15: {  	_ =	strace $0x8FFFFFFF  }
0x16: {  	s19 =	sld [smem:$0x3FDB];
	_ =	sdelay $0x1  }
0x17: {  	s20 =	simm.s32 $_scs_section_size  }
0x18: {  	s5 =	simm.s32 $_size__tile_overlayer_lowered;
	s6 =	simm.s32 $_tile_overlayer_lowered  }
0x19: {  	s23 =	simm.s32 $0x1BFF;
	s22 =	sshll.u32 s6, $0x1;
	s3 =	sadd.s32 s20, s19  }
0x1a: {  	s7 =	simm.s32 $0x0;
	s21 =	sshll.u32 s5, $0x1;
	s5 =	sadd.s32 s22, s3  }
0x1b: {  	[timem:s7], [sflag:s23] =	dma.local [hbm:s5], s21  }
0x1c: {  	_ =	swait.ge [sflag:s23], s21  }
0x1d: {  	s4 =	ssub.s32 $0x0, s21;
	[sflag:s23] =	ssyncset.done $0x0  }
0x1e: {  	[sflag:s23] =	ssyncadd.s32 s4;
	_ =	sdelay $0x1  }
0x1f: {  	s24 =	simm.s32 $0x1B8B  }
0x20: {  	_ =	swait.ge [sflag:s24], $0x1  }
0x21: {  	[sflag:s24] =	ssyncset.done $0x0  }
0x22: {  	s26 =	simm.s32 $0x1B8E;
	s25 =	sld [smem:$0x3FFE];
	[sflag:s24] =	ssyncadd.s32 $0xFFFFFFFF  }
0x23: {  	s27 =	simm.s32 $execute0_lowered;
	[smem:$0x3FD2] =	sst s26  }
0x24: {  	s5 =	sshll.u32 s27, $0x1;
	_ =	strace $0x80000046;
	[dreg:$0x1] =	wrdreg $0xFFFFFFFF  }
0x25: {  	s28 =	simm.s32 $_size_execute0_lowered;
	s3 =	sadd.s32 s3, s5;
	[dreg:$0x0] =	wrdreg $0x0  }
0x26: {  	s5 =	sshll.u32 s28, $0x1;
	[dreg:$0x2] =	wrdreg s3  }
0x27: {  	[dreg:$0x3] =	wrdreg s5  }
0x28: {  	[dreg:$0x4] =	wrdreg $0xC0  }
0x29: {  	_ =	task [dreg:s7], $0x5FFFF  }
0x2a: {  	[dreg:$0x1] =	wrdreg $0xFFFFFFFF  }
0x2b: {  	[dreg:$0x0] =	wrdreg $0x60  }
0x2c: {  	[dreg:$0x2] =	wrdreg s25  }
0x2d: {  	[dreg:$0x3] =	wrdreg s17  }
0x2e: {  	[dreg:$0x4] =	wrdreg $0x9  }
0x2f: {  	_ =	task.clear_ibuf [dreg:s7], $0x5FFFF;
	_ =	strace $0x90000046  }
0x30: {  	s29 =	simm.s32 $0x9;
	_ =	strace $0x80000048  }
0x31: {  	_ =	swait.ge [sflag:s29], $0x1  }
0x32: {  	[sflag:s29] =	ssyncadd.s32 $0xFFFFFFFF  }
0x33: {  	_ =	strace $0x90000048  }
0x34: {  	_ =	sfence  }
0x35: {  	s30 =	sld [smem:$0x0];
	_ =	sdelay $0x2  }
0x36: {  	s31 =	sshll.u32 s1, $0xD;
	s1 =	sshrl.u32 s1, $0x2  }
0x37: {  	s3 =	sand.u32 $0x4000, s31;
	s1 =	sadd.s32 s1, s30  }
0x38: {  	s0 =	sor.u32 s3, s0;
	s1 =	sshll.u32 s1, $0x11  }
0x39: {  	s0 =	sor.u32 s1, s0  }
0x3a: {  	s0 =	sadd.s32 $0x8F2B, s0  }
0x3b: {  	[sflag:s0] =	ssyncadd.remote.s32 $0x1  }
0x3c: {  	_ =	sfence.sel $0xFFFF  }
0x3d: {  	[dreg:$0x0] =	wrdreg $0xFFFFFFFF;
	(pc) =	sbr.abs _section_cstart, $3  }
0x3e: {  	[dreg:$0x1] =	wrdreg $0xFFFFFFFF  }
0x3f: {  	_ =	task.clear_ibuf [dreg:s7], $0x2FFFF;
	_ =	strace $0x9FFFFFFF  }
0x40: {  	(tm) =	ssettm $0x7FFFFFFF  }
0x41: {  	_ =	shalt  }
tec
execute0_lowered:
.L_overlay_start_1:
0x0: {  	(tag) =	ssettag $0x1  }
0x1: {  	s8 =	rddreg [dreg:$0x0]  }
0x2: {  	s0 =	stileid.u32;
	s1 =	rddreg [dreg:$0x1]  }
0x3: {  	s3 =	srdreg.scid;
	s31 =	simm.s32 $0x2;
	s15 =	simm.s32 $0x0  }
0x4: {  	s17 =	simm.s32 $0x0;
	s16 =	simm.s32 $0x0;
	s14 =	simm.s32 $0x0  }
0x5: {  	s2 =	sshll.u32 s0, $0x7;
	s4 =	sshrl.u32 s0, $0x1;
	s5 =	sshll.u32 s0, $0x5  }
0x6: {  	s6 =	sshll.u32 s3, $0x9;
	s8 =	sadd.s32 $0x101A00, s8;
	s2 =	sand.u32 $0x80, s2  }
0x7: {  	s3 =	sand.u32 $0x1, s4;
	s25 =	sor.u32 s5, s6;
	s7 =	ssub.s32 $0x100, s2  }
0x8: {  	s4 =	sand.u32 $0x380, s25;
	s28 =	ssub.s32 $0x2, s3;
	s12 =	smov.u32 s3  }
0x9: {  	s26 =	sshrl.u32 s7, $0x7;
	s27 =	sshrl.u32 s7, $0x8;
	s29 =	ssub.s32 $0x4000, s4  }
0xa: {  	s9 =	sshrl.u32 s28, $0x1;
	s6 =	sand.u32 $0x1, s28;
	s5 =	sand.u32 $0x1, s26  }
0xb: {  	s10 =	sand.u32 $0x380, s29;
	s6 =	sadd.s32 s6, s9;
	s5 =	sadd.s32 s27, s5  }
0xc: {  	s9 =	simm.s32 $0x1;
	p0 =	sne.s32 s10, $0x0;
	s30 =	smul.u32 s6, s5  }
.Ltmp0:
0xd: {  	s7 =	sshrl.u32 s29, $0xA;
	s9 =	simm.s32 @!p0 $0x0;
	(pc) =	sbr.rel .LBB1_1-.Ltmp0, $4  }
0xe: {  	s13 =	smov.u32 s2;
	s5 =	rddreg [dreg:$0x2];
	s7 =	sadd.s32 s9, s7  }
0xf: {  	_ =	strace $0x80000047;
	s6 =	simm.s32 $0x1;
	s7 =	smul.u32 s7, s30  }
0x10: {  	s11 =	smov.u32 s4;
	s10 =	simm.s32 $0x200;
	[sflag:s6] =	ssyncpa.u1 $0x0  }
0x11: {  	p0 =	por $0x0, $0x0;
	[sflag:s31] =	ssyncpa.u1 $0x0;
	s9 =	sadd.s32 $0x1, s7  }
.LBB1_4:
0x12: {  	v5 =	vld [tilespmem:s21+$0xFFFFFFD0];
	[tilespmem:s20+$0x2040 ss:$0x81] =	vst.msk $0xffff, v1  }
0x13: {  	v58 =	vld [tilespmem:s21+$0xFFFFFFE0];
	[tilespmem:s20+$0x2850 ss:$0x81] =	vst.msk $0xffff, v2  }
0x14: {  	s22 =	sshra.s32 s22, $0x2;
	v59 =	vld [tilespmem:s21+$0xFFFFFFF0];
	[tilespmem:s20+$0x3060 ss:$0x81] =	vst.msk $0xffff, v3  }
0x15: {  	v60 =	vld [tilespmem:s21+$0x0];
	[tilespmem:s20+$0x0 ss:$0x81] =	vst.msk $0xffff, v0;
	s19 =	sadd.s32 s22, s19  }
0x16: {  	v61 =	vld [tilespmem:s21+$0x10];
	[tilespmem:s19+$0x3870 ss:$0x81] =	vst.msk $0xffff, v4  }
0x17: {  	v62 =	vld [tilespmem:s21+$0x20];
	[tilespmem:s19+$0x810 ss:$0x81] =	vst.msk $0xffff, v5  }
0x18: {  	v63 =	vld [tilespmem:s21+$0xFFFFFFC0];
	[tilespmem:s19+$0x1020 ss:$0x81] =	vst.msk $0xffff, v58  }
0x19: {  	s17 =	sshll.u32 s17, $0x7;
	s28 =	sand.u32 $0x78, s16;
	s29 =	sshrl.u32 s16, $0x2;
	[tilespmem:s19+$0x1830 ss:$0x81] =	vst.msk $0xffff, v59  }
0x1a: {  	s15 =	sshll.u32 s15, $0x6;
	s17 =	sand.u32 $0x80, s17;
	s30 =	sand.u32 $0x20, s29;
	[tilespmem:s19+$0x2040 ss:$0x81] =	vst.msk $0xffff, v60  }
0x1b: {  	s31 =	sand.u32 $0x7, s16;
	s17 =	sor.u32 s28, s17;
	s20 =	sadd.s32 s1, s30;
	[tilespmem:s19+$0x2850 ss:$0x81] =	vst.msk $0xffff, v61  }
0x1c: {  	s16 =	sshll.u32 s31, $0x12;
	s17 =	sshrl.u32 s17, $0x3;
	s15 =	sadd.s32 s15, s20;
	[tilespmem:s19+$0x3060 ss:$0x81] =	vst.msk $0xffff, v62  }
0x1d: {  	s16 =	sor.u32 $0x80, s16;
	s15 =	sadd.s32 s17, s15;
	[tilespmem:s19+$0x0 ss:$0x81] =	vst.msk $0xffff, v63  }
0x1e: {  	[hbm4b:s15+s16] =	stream.strided.scatter [tilespmem:s18], [sflag:$0x2], $0x4000, s10, s16, $0x20;
	[tilespmem:$0x10100] =	vst v63  }
.LBB1_5:
0x1f: {  	s18 =	sadd.s32 $0x400, s11  }
0x20: {  	s15 =	sadd.s32 $0x2, s12;
	s19 =	smov.u32 s12;
	p2 =	sgt.s32 s18, $0x3FFF  }
0x21: {  	s19 =	smov.u32 @p2 s15  }
0x22: {  	s21 =	smov.u32 s13;
	s15 =	sadd.s32 $0x100, s13;
	p3 =	sgt.s32 s19, $0x1  }
0x23: {  	s21 =	smov.u32 @p3 s15  }
0x24: {  	s18 =	smov.u32 @p2 s4;
	p2 =	sgt.s32 s21, $0xFF  }
0x25: {  	p1 =	slt.u32 s14, $0x2;
	s21 =	smov.u32 @p2 s2;
	p2 =	sne.s32 s14, s9  }
.Ltmp1:
0x26: {  	s20 =	simm.s32 @!p1 $0x2;
	(pc) =	sbr.rel @!p2 .LBB1_6-.Ltmp1, $4  }
0x27: {  	s17 =	smov.u32 s12;
	s16 =	smov.u32 s13;
	_ =	swait.ge @!p1 [sflag:s20], $0x4000  }
0x28: {  	p0 =	por !p0, !p0;
	[sflag:s20] =	ssyncset.done @!p1 $0x0;
	s19 =	smov.u32 @p3 s3  }
0x29: {  	s15 =	smov.u32 s11;
	[sflag:s20] =	ssyncadd.s32 @!p1 $0xFFFFC000;
	s11 =	smov.u32 s18  }
0x2a: {  	s12 =	smov.u32 s19;
	s14 =	sadd.s32 $0x1, s14;
	s13 =	smov.u32 s21  }
.LBB1_1:
0x2b: {  	p1 =	sge.u32 s14, s7  }
0x2c: {  	s18 =	sshll.u32 @!p1 s12, $0x7  }
0x2d: {  	s19 =	sand.u32 @!p1 $0x78, s11;
	s20 =	sshll.u32 @!p1 s11, $0x1;
	s18 =	sand.u32 @!p1 $0x80, s18  }
0x2e: {  	s31 =	sadd.s32 $0xFFFFFFFF, s14;
	s20 =	sand.u32 @!p1 $0x3F00, s20;
	s18 =	sor.u32 @!p1 s18, s19  }
0x2f: {  	s19 =	sshll.u32 @!p1 s13, $0xC;
	s18 =	sor.u32 @!p1 s20, s18;
	s20 =	sshrl.u32 @!p1 s11, $0x2  }
0x30: {  	s21 =	sxor.u32 @!p1 $0xFFFFFFFF, s14;
	s19 =	sadd.s32 @!p1 s8, s19;
	s20 =	sand.u32 @!p1 $0x800, s20  }
0x31: {  	s21 =	sshll.u32 @!p1 s21, $0xE;
	s19 =	sadd.s32 @!p1 s20, s19;
	s20 =	sand.u32 @!p1 $0x7, s11  }
0x32: {  	s21 =	sand.u32 @!p1 $0x4000, s21;
	s18 =	sshrl.u32 @!p1 s18, $0x3;
	s20 =	sshll.u32 @!p1 s20, $0x12  }
0x33: {  	s18 =	sadd.s32 @!p1 s18, s19;
	s19 =	sor.u32 @!p1 $0x80, s20;
	s20 =	simm.s32 @!p1 $0x8000  }
0x34: {  	[tilespmem:s21], [sflag:$0x1] =	stream.strided.gather @!p1 [hbm4b:s18+s19], $0x4000, s20, s19, $0x38;
	[tilespmem:$0x10100] =	vst v63  }
0x35: {  	p1 =	sge.u32 s31, s7  }
.Ltmp2:
0x36: {  	_ = 	snop;
	(pc) =	sbr.rel @p1 .LBB1_5-.Ltmp2, $1  }
0x37: {  	_ =	sdelay $0x3  }
0x38: {  	s18 =	simm.s32 $0x1  }
0x39: {  	_ =	swait.ge [sflag:s6], $0x4000;
	s18 =	simm.s32 @!p0 $0x0  }
0x3a: {  	[sflag:s6] =	ssyncset.done $0x0;
	s19 =	sshll.u32 s18, $0xE  }
0x3b: {  	[sflag:s6] =	ssyncadd.s32 $0xFFFFC000;
	s21 =	sor.u32 $0x40, s19  }
0x3c: {  	s18 =	smul.u32 $0x10200, s18;
	v0 =	vld [tilespmem:s21+$0x30]  }
0x3d: {  	v3 =	vld [tilespmem:s21+$0xFFFFFFD0]  }
0x3e: {  	s18 =	sshrl.u32 s18, $0x2;
	v4 =	vld [tilespmem:s21+$0xFFFFFFE0]  }
0x3f: {  	v5 =	vld [tilespmem:s21+$0xFFFFFFF0];
	s19 =	sor.u32 $0x8000, s18  }
0x40: {  	s31 =	sand.u32 $0x1, s14;
	v1 =	vld [tilespmem:s21+$0x0];
	s20 =	sadd.s32 $0x0, s19  }
0x41: {  	v2 =	vld [tilespmem:s21+$0x10];
	s18 =	smul.u32 $0x10200, s31;
	[tilespmem:s20+$0x3870 ss:$0x81] =	vst.msk $0xffff, v0  }
0x42: {  	[tilespmem:s20+$0x810 ss:$0x81] =	vst.msk $0xffff, v3;
	v3 =	vld [tilespmem:s21+$0x20]  }
0x43: {  	s18 =	sshrl.u32 s18, $0x2;
	v0 =	vld [tilespmem:s21+$0xFFFFFFC0];
	[tilespmem:s20+$0x1020 ss:$0x81] =	vst.msk $0xffff, v4;
	s21 =	sadd.s32 $0x80, s21  }
0x44: {  	s22 =	simm.s32 $0x4;
	s23 =	simm.s32 $0x8;
	s18 =	sor.u32 $0x8000, s18;
	[tilespmem:s20+$0x1830 ss:$0x81] =	vst.msk $0xffff, v5;
	v4 =	vld [tilespmem:s21+$0x30]  }
.LBB1_3:
0x45: {  	p1 =	sne.s32 s23, $0x1FC;
	v5 =	vld [tilespmem:s21+$0xFFFFFFD0];
	[tilespmem:s20+$0x2040 ss:$0x81] =	vst.msk $0xffff, v1  }
0x46: {  	v6 =	vld [tilespmem:s21+$0xFFFFFFE0];
	[tilespmem:s20+$0x2850 ss:$0x81] =	vst.msk $0xffff, v2  }
0x47: {  	s24 =	sshra.s32 s22, $0x2;
	s22 =	smov.u32 s23;
	v7 =	vld [tilespmem:s21+$0xFFFFFFF0];
	[tilespmem:s20+$0x3060 ss:$0x81] =	vst.msk $0xffff, v3  }
.Ltmp3:
0x48: {  	v1 =	vld [tilespmem:s21+$0x0];
	[tilespmem:s20+$0x0 ss:$0x81] =	vst.msk $0xffff, v0;
	s20 =	sadd.s32 s24, s19;
	(pc) =	sbr.rel @p1 .LBB1_3-.Ltmp3, $4  }
0x49: {  	v2 =	vld [tilespmem:s21+$0x10];
	[tilespmem:s20+$0x3870 ss:$0x81] =	vst.msk $0xffff, v4  }
0x4a: {  	[tilespmem:s20+$0x810 ss:$0x81] =	vst.msk $0xffff, v5;
	v3 =	vld [tilespmem:s21+$0x20]  }
0x4b: {  	v0 =	vld [tilespmem:s21+$0xFFFFFFC0];
	[tilespmem:s20+$0x1020 ss:$0x81] =	vst.msk $0xffff, v6;
	s21 =	sadd.s32 $0x80, s21  }
0x4c: {  	s23 =	sadd.s32 $0x4, s23;
	v4 =	vld [tilespmem:s21+$0x30];
	[tilespmem:s20+$0x1830 ss:$0x81] =	vst.msk $0xffff, v7  }
.Ltmp4:
0x4d: {  	_ = 	snop;
	(pc) =	sbr.rel .LBB1_4-.Ltmp4, $1  }
0x4e: {  	_ =	sdelay $0x3  }
.LBB1_6:
0x4f: {  	_ =	sfence.sel $0x180000  }
0x50: {  	s1 =	simm.s32 $0x1;
	[bflag:$0x0] =	sbarrier.arrive $0xFFFF  }
0x51: {  	s31 =	simm.s32 $0x2;
	[sflag:s1] =	ssyncpa.u1 $0x1  }
0x52: {  	[sflag:s31] =	ssyncpa.u1 $0x1  }
0x53: {  	p0 =	sne.s32 s0, $0x0;
	_ =	strace $0x90000047  }
0x54: {  	s0 =	sadd.s32 @!p0 $0x100000, s5;
	[bflag:$0x2] =	sbarrier.arrive $0xFFFF  }
0x55: {  	[sflag:s0] =	ssyncadd.tile.s32 @!p0 $0x1;
	_ =	shalt  }
.Lfunc_end1:
_tile_overlayer_lowered:
.L_overlay_start_2:
0x56: {  	(tag) =	ssettag $0x2  }
0x57: {  	s0 =	rddreg [dreg:$0x0];
	s2 =	stileid.u32  }
0x58: {  	s1 =	rddreg [dreg:$0x1];
	p0 =	sne.s32 s2, $0x0  }
0x59: {  	s3 =	rddreg [dreg:$0x2];
	[bflag:$0x3] =	sbarrier.arrive $0xFFFF;
	s2 =	simm.s32 @!p0 $0x1C01  }
0x5a: {  	[timem:s3], [sflag:s2] =	dma.local @!p0 [hbm:s0], s1  }
0x5b: {  	s0 =	simm.s32 @!p0 $0x1  }
0x5c: {  	_ =	swait.ge @!p0 [sflag:s0], s1  }
0x5d: {  	s1 =	ssub.s32 @!p0 $0x0, s1;
	[sflag:s0] =	ssyncset.done @!p0 $0x0  }
0x5e: {  	[sflag:s0] =	ssyncadd.s32 @!p0 s1  }
0x5f: {  	[bflag:$0x3] =	sbarrier.arrive $0xFFFF  }
0x60: {  	_ =	shalt  }

</sc_bundles>
